<compile_context>
chip_gen: v7x
topology: tpu7x:2x2x1
jax: 0.10.2.dev20260603
libtpu: 0.0.44.dev20260713+nightly
codegen_flags: <defaults>
</compile_context>

<pallas_src>
import functools

import jax
import jax.numpy as jnp
from jax import lax
from jax.experimental import pallas as pl
from jax.experimental.pallas import tpu as pltpu
from jax.experimental.pallas import tpu_sc as plsc

EMB_DIM = 16
CHUNK_COLS = 1280


@functools.cache
def _build_broadcast(n_edges: int, emb_dim: int):
    info = plsc.get_sparse_core_info()
    num_workers = info.num_cores * info.num_subcores
    lanes = info.num_lanes
    assert n_edges % CHUNK_COLS == 0
    n_chunks = n_edges // CHUNK_COLS

    mesh = plsc.VectorSubcoreMesh(core_axis_name="c", subcore_axis_name="s")

    @functools.partial(
        pl.kernel,
        mesh=mesh,
        out_type=jax.ShapeDtypeStruct((emb_dim, n_edges), jnp.float32),
        scratch_types=[
            pltpu.VMEM((emb_dim, lanes), jnp.float32),
            pltpu.VMEM((emb_dim, CHUNK_COLS), jnp.float32),
            pltpu.SemaphoreType.DMA,
        ],
    )
    def bcast(splat_hbm, out_hbm, sv, buf, sem):
        wid = lax.axis_index("s") * info.num_cores + lax.axis_index("c")
        pltpu.sync_copy(splat_hbm, sv)
        splats = [sv[c] for c in range(emb_dim)]

        def fill(j, _):
            for c in range(emb_dim):
                buf[c, pl.ds(j * lanes, lanes)] = splats[c]
            return 0

        lax.fori_loop(0, CHUNK_COLS // lanes, fill, 0)

        n_mine = (n_chunks - 1 - wid) // num_workers + 1

        def start(i, _):
            base = (wid + i * num_workers) * CHUNK_COLS
            pltpu.make_async_copy(
                buf, out_hbm.at[:, pl.ds(base, CHUNK_COLS)], sem
            ).start()
            return 0

        def drain(i, _):
            pltpu.make_async_copy(
                buf, out_hbm.at[:, pl.ds(wid * CHUNK_COLS, CHUNK_COLS)], sem
            ).wait()
            return 0

        lax.fori_loop(0, n_mine, start, 0)
        lax.fori_loop(0, n_mine, drain, 0)

    return bcast


def kernel(batch, W):
    n_edges = batch.shape[0]
    splat = jnp.broadcast_to(W.reshape(EMB_DIM, 1), (EMB_DIM, EMB_DIM))
    cols = _build_broadcast(n_edges, EMB_DIM)(splat)
    return cols.T

# --- scband reference (transcript-rebuilt; emitter-appended) ---
"""Pipeline reference for scband-dummy-edge-encoder-71236327571658 (READ-ONLY COPY).

The authoritative reference and input builder live on the scoring server;
editing this copy changes nothing except your own understanding.
"""

import jax, jax.numpy as jnp
import numpy as np

EMB_DIM = 16
N_EDGES = 1600000

def setup_inputs(seed: int = 0) -> dict:
    key = jax.random.key(seed)
    k1, k2 = jax.random.split(key)
    # batch is a tensor whose leading dim gives the number of dummy edges
    batch = jax.random.randint(k1, (N_EDGES,), 0, 1, dtype=jnp.int32)
    # Embedding table: num_embeddings=1, embedding_dim=EMB_DIM
    W = jax.random.normal(k2, (1, EMB_DIM), dtype=jnp.float32)
    return {"batch": batch, "W": W}

def reference(batch, W):
    # DummyEdgeEncoder.forward with a Tensor input:
    #   dummy_attr = batch.new_zeros(batch.shape[0])
    #   return self.encoder(dummy_attr)
    dummy_attr = jnp.zeros((batch.shape[0],), dtype=jnp.int32)
    out = jnp.take(W, dummy_attr, axis=0)
    return out

if __name__ == "__main__":
    import jax
    _d = setup_inputs()
    print(jax.jit(kernel)(*tuple(_d.values())))

</pallas_src>

<mosaic_0001>
#map = affine_map<(d0, d1) -> (0, 0)>
module attributes {stable_mosaic.version = 14 : i64} {
  func.func @bcast(%arg0: i32, %arg1: i32, %arg2: memref<16x16xf32, #tpu.memory_space<hbm>>, %arg3: memref<16x1600000xf32, #tpu.memory_space<hbm>>, %arg4: memref<16x16xf32, #tpu.memory_space<vmem>>, %arg5: memref<16x1280xf32, #tpu.memory_space<vmem>>, %arg6: memref<!tpu.dma_semaphore, #tpu.memory_space<semaphore_mem>>) attributes {dimension_semantics = [#tpu.dimension_semantics<core_parallel>, #tpu.dimension_semantics<subcore_parallel>], iteration_bounds = array<i64: 2, 16>, scalar_prefetch = 0 : i64, scratch_operands = 3 : i64, tpu.core_type = #tpu.core_type<sc_vector_subcore>, window_params = [{transform_indices = #map}, {transform_indices = #map}]} {
    %mul3A = arith.constant 2 : i32
    %mul3A_0 = arith.muli %arg1, %mul3A : i32
    %add3A = arith.addi %mul3A_0, %arg0 : i32
    "tpu.region"() ({
      %run_scoped3A = tpu.sem_alloc : memref<!tpu.dma_semaphore, #tpu.memory_space<semaphore_mem>>
      tpu.enqueue_dma source(%arg2 : memref<16x16xf32, #tpu.memory_space<hbm>>) target(%arg4 : memref<16x16xf32, #tpu.memory_space<vmem>>) target_semaphore(%run_scoped3A : memref<!tpu.dma_semaphore, #tpu.memory_space<semaphore_mem>>)
      tpu.wait_dma2 semaphore(%run_scoped3A : memref<!tpu.dma_semaphore, #tpu.memory_space<semaphore_mem>>) src(%arg2 : memref<16x16xf32, #tpu.memory_space<hbm>>) dst(%arg4 : memref<16x16xf32, #tpu.memory_space<vmem>>)
      tpu.yield
    }) : () -> ()
    %get3A = arith.constant 0 : i32
    %get3A_1 = arith.index_cast %get3A : i32 to index
    %get3A_2 = arith.constant 0 : index
    %get3A_3 = tpu.vector_load %arg4[%get3A_1, %get3A_2] {strides = array<i32>} : memref<16x16xf32, #tpu.memory_space<vmem>>, vector<1x16xf32>,
    %get3A_4 = vector.shape_cast %get3A_3 : vector<1x16xf32> to vector<16xf32>
    %get3A_5 = arith.constant 1 : i32
    %get3A_6 = arith.index_cast %get3A_5 : i32 to index
    %get3A_7 = arith.constant 0 : index
    %get3A_8 = tpu.vector_load %arg4[%get3A_6, %get3A_7] {strides = array<i32>} : memref<16x16xf32, #tpu.memory_space<vmem>>, vector<1x16xf32>,
    %get3A_9 = vector.shape_cast %get3A_8 : vector<1x16xf32> to vector<16xf32>
    %get3A_10 = arith.constant 2 : i32
    %get3A_11 = arith.index_cast %get3A_10 : i32 to index
    %get3A_12 = arith.constant 0 : index
    %get3A_13 = tpu.vector_load %arg4[%get3A_11, %get3A_12] {strides = array<i32>} : memref<16x16xf32, #tpu.memory_space<vmem>>, vector<1x16xf32>,
    %get3A_14 = vector.shape_cast %get3A_13 : vector<1x16xf32> to vector<16xf32>
    %get3A_15 = arith.constant 3 : i32
    %get3A_16 = arith.index_cast %get3A_15 : i32 to index
    %get3A_17 = arith.constant 0 : index
    %get3A_18 = tpu.vector_load %arg4[%get3A_16, %get3A_17] {strides = array<i32>} : memref<16x16xf32, #tpu.memory_space<vmem>>, vector<1x16xf32>,
    %get3A_19 = vector.shape_cast %get3A_18 : vector<1x16xf32> to vector<16xf32>
    %get3A_20 = arith.constant 4 : i32
    %get3A_21 = arith.index_cast %get3A_20 : i32 to index
    %get3A_22 = arith.constant 0 : index
    %get3A_23 = tpu.vector_load %arg4[%get3A_21, %get3A_22] {strides = array<i32>} : memref<16x16xf32, #tpu.memory_space<vmem>>, vector<1x16xf32>,
    %get3A_24 = vector.shape_cast %get3A_23 : vector<1x16xf32> to vector<16xf32>
    %get3A_25 = arith.constant 5 : i32
    %get3A_26 = arith.index_cast %get3A_25 : i32 to index
    %get3A_27 = arith.constant 0 : index
    %get3A_28 = tpu.vector_load %arg4[%get3A_26, %get3A_27] {strides = array<i32>} : memref<16x16xf32, #tpu.memory_space<vmem>>, vector<1x16xf32>,
    %get3A_29 = vector.shape_cast %get3A_28 : vector<1x16xf32> to vector<16xf32>
    %get3A_30 = arith.constant 6 : i32
    %get3A_31 = arith.index_cast %get3A_30 : i32 to index
    %get3A_32 = arith.constant 0 : index
    %get3A_33 = tpu.vector_load %arg4[%get3A_31, %get3A_32] {strides = array<i32>} : memref<16x16xf32, #tpu.memory_space<vmem>>, vector<1x16xf32>,
    %get3A_34 = vector.shape_cast %get3A_33 : vector<1x16xf32> to vector<16xf32>
    %get3A_35 = arith.constant 7 : i32
    %get3A_36 = arith.index_cast %get3A_35 : i32 to index
    %get3A_37 = arith.constant 0 : index
    %get3A_38 = tpu.vector_load %arg4[%get3A_36, %get3A_37] {strides = array<i32>} : memref<16x16xf32, #tpu.memory_space<vmem>>, vector<1x16xf32>,
    %get3A_39 = vector.shape_cast %get3A_38 : vector<1x16xf32> to vector<16xf32>
    %get3A_40 = arith.constant 8 : i32
    %get3A_41 = arith.index_cast %get3A_40 : i32 to index
    %get3A_42 = arith.constant 0 : index
    %get3A_43 = tpu.vector_load %arg4[%get3A_41, %get3A_42] {strides = array<i32>} : memref<16x16xf32, #tpu.memory_space<vmem>>, vector<1x16xf32>,
    %get3A_44 = vector.shape_cast %get3A_43 : vector<1x16xf32> to vector<16xf32>
    %get3A_45 = arith.constant 9 : i32
    %get3A_46 = arith.index_cast %get3A_45 : i32 to index
    %get3A_47 = arith.constant 0 : index
    %get3A_48 = tpu.vector_load %arg4[%get3A_46, %get3A_47] {strides = array<i32>} : memref<16x16xf32, #tpu.memory_space<vmem>>, vector<1x16xf32>,
    %get3A_49 = vector.shape_cast %get3A_48 : vector<1x16xf32> to vector<16xf32>
    %get3A_50 = arith.constant 10 : i32
    %get3A_51 = arith.index_cast %get3A_50 : i32 to index
    %get3A_52 = arith.constant 0 : index
    %get3A_53 = tpu.vector_load %arg4[%get3A_51, %get3A_52] {strides = array<i32>} : memref<16x16xf32, #tpu.memory_space<vmem>>, vector<1x16xf32>,
    %get3A_54 = vector.shape_cast %get3A_53 : vector<1x16xf32> to vector<16xf32>
    %get3A_55 = arith.constant 11 : i32
    %get3A_56 = arith.index_cast %get3A_55 : i32 to index
    %get3A_57 = arith.constant 0 : index
    %get3A_58 = tpu.vector_load %arg4[%get3A_56, %get3A_57] {strides = array<i32>} : memref<16x16xf32, #tpu.memory_space<vmem>>, vector<1x16xf32>,
    %get3A_59 = vector.shape_cast %get3A_58 : vector<1x16xf32> to vector<16xf32>
    %get3A_60 = arith.constant 12 : i32
    %get3A_61 = arith.index_cast %get3A_60 : i32 to index
    %get3A_62 = arith.constant 0 : index
    %get3A_63 = tpu.vector_load %arg4[%get3A_61, %get3A_62] {strides = array<i32>} : memref<16x16xf32, #tpu.memory_space<vmem>>, vector<1x16xf32>,
    %get3A_64 = vector.shape_cast %get3A_63 : vector<1x16xf32> to vector<16xf32>
    %get3A_65 = arith.constant 13 : i32
    %get3A_66 = arith.index_cast %get3A_65 : i32 to index
    %get3A_67 = arith.constant 0 : index
    %get3A_68 = tpu.vector_load %arg4[%get3A_66, %get3A_67] {strides = array<i32>} : memref<16x16xf32, #tpu.memory_space<vmem>>, vector<1x16xf32>,
    %get3A_69 = vector.shape_cast %get3A_68 : vector<1x16xf32> to vector<16xf32>
    %get3A_70 = arith.constant 14 : i32
    %get3A_71 = arith.index_cast %get3A_70 : i32 to index
    %get3A_72 = arith.constant 0 : index
    %get3A_73 = tpu.vector_load %arg4[%get3A_71, %get3A_72] {strides = array<i32>} : memref<16x16xf32, #tpu.memory_space<vmem>>, vector<1x16xf32>,
    %get3A_74 = vector.shape_cast %get3A_73 : vector<1x16xf32> to vector<16xf32>
    %get3A_75 = arith.constant 15 : i32
    %get3A_76 = arith.index_cast %get3A_75 : i32 to index
    %get3A_77 = arith.constant 0 : index
    %get3A_78 = tpu.vector_load %arg4[%get3A_76, %get3A_77] {strides = array<i32>} : memref<16x16xf32, #tpu.memory_space<vmem>>, vector<1x16xf32>,
    %get3A_79 = vector.shape_cast %get3A_78 : vector<1x16xf32> to vector<16xf32>
    %scan3A = arith.constant 0 : i32
    %scan3A_80 = arith.constant 0 : i32
    %scan3A_81 = arith.constant 80 : i32
    %scan3A_82 = arith.addi %scan3A_80, %scan3A_81 : i32
    %scan3A_83 = arith.constant 1 : i32
    %scan3A_84 = scf.for %scan3A_129 = %scan3A_80 to %scan3A_82 step %scan3A_83 iter_args(%scan3A_130 = %scan3A) -> (i32)  : i32 {
      %mul3A_131 = arith.constant 16 : i32
      %mul3A_132 = arith.muli %scan3A_129, %mul3A_131 : i32
      %swap3A = arith.constant 0 : i32
      %swap3A_133 = arith.index_cast %swap3A : i32 to index
      %swap3A_134 = arith.index_cast %mul3A_132 : i32 to index
      %swap3A_135 = tpu.vector_load %arg5[%swap3A_133, %swap3A_134] {strides = array<i32>} : memref<16x1280xf32, #tpu.memory_space<vmem>>, vector<1x16xf32>,
      %swap3A_136 = vector.shape_cast %swap3A_135 : vector<1x16xf32> to vector<16xf32>
      %swap3A_137 = vector.shape_cast %get3A_4 : vector<16xf32> to vector<1x16xf32>
      tpu.vector_store %arg5[%swap3A_133, %swap3A_134], %swap3A_137 {strides = array<i32>} : memref<16x1280xf32, #tpu.memory_space<vmem>>, vector<1x16xf32>,
      %mul3A_138 = arith.constant 16 : i32
      %mul3A_139 = arith.muli %scan3A_129, %mul3A_138 : i32
      %swap3A_140 = arith.constant 1 : i32
      %swap3A_141 = arith.index_cast %swap3A_140 : i32 to index
      %swap3A_142 = arith.index_cast %mul3A_139 : i32 to index
      %swap3A_143 = tpu.vector_load %arg5[%swap3A_141, %swap3A_142] {strides = array<i32>} : memref<16x1280xf32, #tpu.memory_space<vmem>>, vector<1x16xf32>,
      %swap3A_144 = vector.shape_cast %swap3A_143 : vector<1x16xf32> to vector<16xf32>
      %swap3A_145 = vector.shape_cast %get3A_9 : vector<16xf32> to vector<1x16xf32>
      tpu.vector_store %arg5[%swap3A_141, %swap3A_142], %swap3A_145 {strides = array<i32>} : memref<16x1280xf32, #tpu.memory_space<vmem>>, vector<1x16xf32>,
      %mul3A_146 = arith.constant 16 : i32
      %mul3A_147 = arith.muli %scan3A_129, %mul3A_146 : i32
      %swap3A_148 = arith.constant 2 : i32
      %swap3A_149 = arith.index_cast %swap3A_148 : i32 to index
      %swap3A_150 = arith.index_cast %mul3A_147 : i32 to index
      %swap3A_151 = tpu.vector_load %arg5[%swap3A_149, %swap3A_150] {strides = array<i32>} : memref<16x1280xf32, #tpu.memory_space<vmem>>, vector<1x16xf32>,
      %swap3A_152 = vector.shape_cast %swap3A_151 : vector<1x16xf32> to vector<16xf32>
      %swap3A_153 = vector.shape_cast %get3A_14 : vector<16xf32> to vector<1x16xf32>
      tpu.vector_store %arg5[%swap3A_149, %swap3A_150], %swap3A_153 {strides = array<i32>} : memref<16x1280xf32, #tpu.memory_space<vmem>>, vector<1x16xf32>,
      %mul3A_154 = arith.constant 16 : i32
      %mul3A_155 = arith.muli %scan3A_129, %mul3A_154 : i32
      %swap3A_156 = arith.constant 3 : i32
      %swap3A_157 = arith.index_cast %swap3A_156 : i32 to index
      %swap3A_158 = arith.index_cast %mul3A_155 : i32 to index
      %swap3A_159 = tpu.vector_load %arg5[%swap3A_157, %swap3A_158] {strides = array<i32>} : memref<16x1280xf32, #tpu.memory_space<vmem>>, vector<1x16xf32>,
      %swap3A_160 = vector.shape_cast %swap3A_159 : vector<1x16xf32> to vector<16xf32>
      %swap3A_161 = vector.shape_cast %get3A_19 : vector<16xf32> to vector<1x16xf32>
      tpu.vector_store %arg5[%swap3A_157, %swap3A_158], %swap3A_161 {strides = array<i32>} : memref<16x1280xf32, #tpu.memory_space<vmem>>, vector<1x16xf32>,
      %mul3A_162 = arith.constant 16 : i32
      %mul3A_163 = arith.muli %scan3A_129, %mul3A_162 : i32
      %swap3A_164 = arith.constant 4 : i32
      %swap3A_165 = arith.index_cast %swap3A_164 : i32 to index
      %swap3A_166 = arith.index_cast %mul3A_163 : i32 to index
      %swap3A_167 = tpu.vector_load %arg5[%swap3A_165, %swap3A_166] {strides = array<i32>} : memref<16x1280xf32, #tpu.memory_space<vmem>>, vector<1x16xf32>,
      %swap3A_168 = vector.shape_cast %swap3A_167 : vector<1x16xf32> to vector<16xf32>
      %swap3A_169 = vector.shape_cast %get3A_24 : vector<16xf32> to vector<1x16xf32>
      tpu.vector_store %arg5[%swap3A_165, %swap3A_166], %swap3A_169 {strides = array<i32>} : memref<16x1280xf32, #tpu.memory_space<vmem>>, vector<1x16xf32>,
      %mul3A_170 = arith.constant 16 : i32
      %mul3A_171 = arith.muli %scan3A_129, %mul3A_170 : i32
      %swap3A_172 = arith.constant 5 : i32
      %swap3A_173 = arith.index_cast %swap3A_172 : i32 to index
      %swap3A_174 = arith.index_cast %mul3A_171 : i32 to index
      %swap3A_175 = tpu.vector_load %arg5[%swap3A_173, %swap3A_174] {strides = array<i32>} : memref<16x1280xf32, #tpu.memory_space<vmem>>, vector<1x16xf32>,
      %swap3A_176 = vector.shape_cast %swap3A_175 : vector<1x16xf32> to vector<16xf32>
      %swap3A_177 = vector.shape_cast %get3A_29 : vector<16xf32> to vector<1x16xf32>
      tpu.vector_store %arg5[%swap3A_173, %swap3A_174], %swap3A_177 {strides = array<i32>} : memref<16x1280xf32, #tpu.memory_space<vmem>>, vector<1x16xf32>,
      %mul3A_178 = arith.constant 16 : i32
      %mul3A_179 = arith.muli %scan3A_129, %mul3A_178 : i32
      %swap3A_180 = arith.constant 6 : i32
      %swap3A_181 = arith.index_cast %swap3A_180 : i32 to index
      %swap3A_182 = arith.index_cast %mul3A_179 : i32 to index
      %swap3A_183 = tpu.vector_load %arg5[%swap3A_181, %swap3A_182] {strides = array<i32>} : memref<16x1280xf32, #tpu.memory_space<vmem>>, vector<1x16xf32>,
      %swap3A_184 = vector.shape_cast %swap3A_183 : vector<1x16xf32> to vector<16xf32>
      %swap3A_185 = vector.shape_cast %get3A_34 : vector<16xf32> to vector<1x16xf32>
      tpu.vector_store %arg5[%swap3A_181, %swap3A_182], %swap3A_185 {strides = array<i32>} : memref<16x1280xf32, #tpu.memory_space<vmem>>, vector<1x16xf32>,
      %mul3A_186 = arith.constant 16 : i32
      %mul3A_187 = arith.muli %scan3A_129, %mul3A_186 : i32
      %swap3A_188 = arith.constant 7 : i32
      %swap3A_189 = arith.index_cast %swap3A_188 : i32 to index
      %swap3A_190 = arith.index_cast %mul3A_187 : i32 to index
      %swap3A_191 = tpu.vector_load %arg5[%swap3A_189, %swap3A_190] {strides = array<i32>} : memref<16x1280xf32, #tpu.memory_space<vmem>>, vector<1x16xf32>,
      %swap3A_192 = vector.shape_cast %swap3A_191 : vector<1x16xf32> to vector<16xf32>
      %swap3A_193 = vector.shape_cast %get3A_39 : vector<16xf32> to vector<1x16xf32>
      tpu.vector_store %arg5[%swap3A_189, %swap3A_190], %swap3A_193 {strides = array<i32>} : memref<16x1280xf32, #tpu.memory_space<vmem>>, vector<1x16xf32>,
      %mul3A_194 = arith.constant 16 : i32
      %mul3A_195 = arith.muli %scan3A_129, %mul3A_194 : i32
      %swap3A_196 = arith.constant 8 : i32
      %swap3A_197 = arith.index_cast %swap3A_196 : i32 to index
      %swap3A_198 = arith.index_cast %mul3A_195 : i32 to index
      %swap3A_199 = tpu.vector_load %arg5[%swap3A_197, %swap3A_198] {strides = array<i32>} : memref<16x1280xf32, #tpu.memory_space<vmem>>, vector<1x16xf32>,
      %swap3A_200 = vector.shape_cast %swap3A_199 : vector<1x16xf32> to vector<16xf32>
      %swap3A_201 = vector.shape_cast %get3A_44 : vector<16xf32> to vector<1x16xf32>
      tpu.vector_store %arg5[%swap3A_197, %swap3A_198], %swap3A_201 {strides = array<i32>} : memref<16x1280xf32, #tpu.memory_space<vmem>>, vector<1x16xf32>,
      %mul3A_202 = arith.constant 16 : i32
      %mul3A_203 = arith.muli %scan3A_129, %mul3A_202 : i32
      %swap3A_204 = arith.constant 9 : i32
      %swap3A_205 = arith.index_cast %swap3A_204 : i32 to index
      %swap3A_206 = arith.index_cast %mul3A_203 : i32 to index
      %swap3A_207 = tpu.vector_load %arg5[%swap3A_205, %swap3A_206] {strides = array<i32>} : memref<16x1280xf32, #tpu.memory_space<vmem>>, vector<1x16xf32>,
      %swap3A_208 = vector.shape_cast %swap3A_207 : vector<1x16xf32> to vector<16xf32>
      %swap3A_209 = vector.shape_cast %get3A_49 : vector<16xf32> to vector<1x16xf32>
      tpu.vector_store %arg5[%swap3A_205, %swap3A_206], %swap3A_209 {strides = array<i32>} : memref<16x1280xf32, #tpu.memory_space<vmem>>, vector<1x16xf32>,
      %mul3A_210 = arith.constant 16 : i32
      %mul3A_211 = arith.muli %scan3A_129, %mul3A_210 : i32
      %swap3A_212 = arith.constant 10 : i32
      %swap3A_213 = arith.index_cast %swap3A_212 : i32 to index
      %swap3A_214 = arith.index_cast %mul3A_211 : i32 to index
      %swap3A_215 = tpu.vector_load %arg5[%swap3A_213, %swap3A_214] {strides = array<i32>} : memref<16x1280xf32, #tpu.memory_space<vmem>>, vector<1x16xf32>,
      %swap3A_216 = vector.shape_cast %swap3A_215 : vector<1x16xf32> to vector<16xf32>
      %swap3A_217 = vector.shape_cast %get3A_54 : vector<16xf32> to vector<1x16xf32>
      tpu.vector_store %arg5[%swap3A_213, %swap3A_214], %swap3A_217 {strides = array<i32>} : memref<16x1280xf32, #tpu.memory_space<vmem>>, vector<1x16xf32>,
      %mul3A_218 = arith.constant 16 : i32
      %mul3A_219 = arith.muli %scan3A_129, %mul3A_218 : i32
      %swap3A_220 = arith.constant 11 : i32
      %swap3A_221 = arith.index_cast %swap3A_220 : i32 to index
      %swap3A_222 = arith.index_cast %mul3A_219 : i32 to index
      %swap3A_223 = tpu.vector_load %arg5[%swap3A_221, %swap3A_222] {strides = array<i32>} : memref<16x1280xf32, #tpu.memory_space<vmem>>, vector<1x16xf32>,
      %swap3A_224 = vector.shape_cast %swap3A_223 : vector<1x16xf32> to vector<16xf32>
      %swap3A_225 = vector.shape_cast %get3A_59 : vector<16xf32> to vector<1x16xf32>
      tpu.vector_store %arg5[%swap3A_221, %swap3A_222], %swap3A_225 {strides = array<i32>} : memref<16x1280xf32, #tpu.memory_space<vmem>>, vector<1x16xf32>,
      %mul3A_226 = arith.constant 16 : i32
      %mul3A_227 = arith.muli %scan3A_129, %mul3A_226 : i32
      %swap3A_228 = arith.constant 12 : i32
      %swap3A_229 = arith.index_cast %swap3A_228 : i32 to index
      %swap3A_230 = arith.index_cast %mul3A_227 : i32 to index
      %swap3A_231 = tpu.vector_load %arg5[%swap3A_229, %swap3A_230] {strides = array<i32>} : memref<16x1280xf32, #tpu.memory_space<vmem>>, vector<1x16xf32>,
      %swap3A_232 = vector.shape_cast %swap3A_231 : vector<1x16xf32> to vector<16xf32>
      %swap3A_233 = vector.shape_cast %get3A_64 : vector<16xf32> to vector<1x16xf32>
      tpu.vector_store %arg5[%swap3A_229, %swap3A_230], %swap3A_233 {strides = array<i32>} : memref<16x1280xf32, #tpu.memory_space<vmem>>, vector<1x16xf32>,
      %mul3A_234 = arith.constant 16 : i32
      %mul3A_235 = arith.muli %scan3A_129, %mul3A_234 : i32
      %swap3A_236 = arith.constant 13 : i32
      %swap3A_237 = arith.index_cast %swap3A_236 : i32 to index
      %swap3A_238 = arith.index_cast %mul3A_235 : i32 to index
      %swap3A_239 = tpu.vector_load %arg5[%swap3A_237, %swap3A_238] {strides = array<i32>} : memref<16x1280xf32, #tpu.memory_space<vmem>>, vector<1x16xf32>,
      %swap3A_240 = vector.shape_cast %swap3A_239 : vector<1x16xf32> to vector<16xf32>
      %swap3A_241 = vector.shape_cast %get3A_69 : vector<16xf32> to vector<1x16xf32>
      tpu.vector_store %arg5[%swap3A_237, %swap3A_238], %swap3A_241 {strides = array<i32>} : memref<16x1280xf32, #tpu.memory_space<vmem>>, vector<1x16xf32>,
      %mul3A_242 = arith.constant 16 : i32
      %mul3A_243 = arith.muli %scan3A_129, %mul3A_242 : i32
      %swap3A_244 = arith.constant 14 : i32
      %swap3A_245 = arith.index_cast %swap3A_244 : i32 to index
      %swap3A_246 = arith.index_cast %mul3A_243 : i32 to index
      %swap3A_247 = tpu.vector_load %arg5[%swap3A_245, %swap3A_246] {strides = array<i32>} : memref<16x1280xf32, #tpu.memory_space<vmem>>, vector<1x16xf32>,
      %swap3A_248 = vector.shape_cast %swap3A_247 : vector<1x16xf32> to vector<16xf32>
      %swap3A_249 = vector.shape_cast %get3A_74 : vector<16xf32> to vector<1x16xf32>
      tpu.vector_store %arg5[%swap3A_245, %swap3A_246], %swap3A_249 {strides = array<i32>} : memref<16x1280xf32, #tpu.memory_space<vmem>>, vector<1x16xf32>,
      %mul3A_250 = arith.constant 16 : i32
      %mul3A_251 = arith.muli %scan3A_129, %mul3A_250 : i32
      %swap3A_252 = arith.constant 15 : i32
      %swap3A_253 = arith.index_cast %swap3A_252 : i32 to index
      %swap3A_254 = arith.index_cast %mul3A_251 : i32 to index
      %swap3A_255 = tpu.vector_load %arg5[%swap3A_253, %swap3A_254] {strides = array<i32>} : memref<16x1280xf32, #tpu.memory_space<vmem>>, vector<1x16xf32>,
      %swap3A_256 = vector.shape_cast %swap3A_255 : vector<1x16xf32> to vector<16xf32>
      %swap3A_257 = vector.shape_cast %get3A_79 : vector<16xf32> to vector<1x16xf32>
      tpu.vector_store %arg5[%swap3A_253, %swap3A_254], %swap3A_257 {strides = array<i32>} : memref<16x1280xf32, #tpu.memory_space<vmem>>, vector<1x16xf32>,
      %scan3A_258 = arith.constant 0 : i32
      scf.yield %scan3A_258 : i32
    }
    %scan3A_85 = arith.constant 80 : i32
    %sub3A = arith.constant 1249 : i32
    %sub3A_86 = arith.subi %sub3A, %add3A : i32
    %jit3A = arith.constant 32 : i32
    %div3A = arith.divsi %sub3A_86, %jit3A : i32
    %sign3A = arith.constant 0 : i32
    %sign3A_87 = arith.cmpi sgt, %sub3A_86, %sign3A : i32
    %sign3A_88 = arith.extui %sign3A_87 : i1 to i32
    %sign3A_89 = arith.constant 0 : i32
    %sign3A_90 = arith.cmpi slt, %sub3A_86, %sign3A_89 : i32
    %sign3A_91 = arith.extui %sign3A_90 : i1 to i32
    %sign3A_92 = arith.subi %sign3A_88, %sign3A_91 : i32
    %sign3A_93 = arith.constant 0 : i32
    %sign3A_94 = arith.cmpi sgt, %jit3A, %sign3A_93 : i32
    %sign3A_95 = arith.extui %sign3A_94 : i1 to i32
    %sign3A_96 = arith.constant 0 : i32
    %sign3A_97 = arith.cmpi slt, %jit3A, %sign3A_96 : i32
    %sign3A_98 = arith.extui %sign3A_97 : i1 to i32
    %sign3A_99 = arith.subi %sign3A_95, %sign3A_98 : i32
    %ne3A = arith.cmpi ne, %sign3A_92, %sign3A_99 : i32
    %rem3A = arith.remsi %sub3A_86, %jit3A : i32
    %ne3A_100 = arith.constant 0 : i32
    %ne3A_101 = arith.cmpi ne, %rem3A, %ne3A_100 : i32
    %and3A = arith.andi %ne3A, %ne3A_101 : i1
    %sub3A_102 = arith.constant 1 : i32
    %sub3A_103 = arith.subi %div3A, %sub3A_102 : i32
    %select_n3A = arith.select %and3A, %sub3A_103, %div3A : i32
    %add3A_104 = arith.constant 1 : i32
    %add3A_105 = arith.addi %select_n3A, %add3A_104 : i32
    %while3A = arith.constant 0 : i32
    %while3A_106 = arith.constant 0 : i32
    %while3A_107 = arith.subi %add3A_105, %while3A : i32
    %while3A_108 = arith.addi %while3A, %while3A_107 : i32
    %while3A_109 = arith.constant 1 : i32
    %while3A_110 = arith.divsi %while3A_107, %while3A_109 : i32
    %while3A_111 = arith.muli %while3A_110, %while3A_109 : i32
    %while3A_112 = arith.addi %while3A, %while3A_111 : i32
    %while3A_113 = arith.constant 1 : i32
    %while3A_114 = scf.for %while3A_129 = %while3A to %while3A_112 step %while3A_113 iter_args(%while3A_130 = %while3A_106) -> (i32)  : i32 {
      %mul3A_131 = arith.constant 32 : i32
      %mul3A_132 = arith.muli %while3A_129, %mul3A_131 : i32
      %add3A_133 = arith.addi %add3A, %mul3A_132 : i32
      %mul3A_134 = arith.constant 1280 : i32
      %mul3A_135 = arith.muli %add3A_133, %mul3A_134 : i32
      %dma_start3A = arith.constant 0 : i32
      %dma_start3A_136 = tpu.memref_slice %arg3[%dma_start3A, %mul3A_135] : memref<16x1600000xf32, #tpu.memory_space<hbm>> -> memref<16x1280xf32, #tpu.memory_space<hbm>>
      %dma_start3A_137 = arith.constant 0 : i32
      %dma_start3A_138 = tpu.memref_slice %arg3[%dma_start3A_137, %mul3A_135] : memref<16x1600000xf32, #tpu.memory_space<hbm>> -> memref<16x1280xf32, #tpu.memory_space<hbm>>
      tpu.enqueue_dma source(%arg5 : memref<16x1280xf32, #tpu.memory_space<vmem>>) target(%dma_start3A_138 : memref<16x1280xf32, #tpu.memory_space<hbm>>) target_semaphore(%arg6 : memref<!tpu.dma_semaphore, #tpu.memory_space<semaphore_mem>>)
      %while3A_139 = arith.constant 0 : i32
      scf.yield %while3A_139 : i32
    }
    %while3A_115 = arith.constant 1 : i32
    %while3A_116 = scf.for %while3A_129 = %while3A_112 to %while3A_108 step %while3A_115 iter_args(%while3A_130 = %while3A_114) -> (i32)  : i32 {
      %mul3A_131 = arith.constant 32 : i32
      %mul3A_132 = arith.muli %while3A_129, %mul3A_131 : i32
      %add3A_133 = arith.addi %add3A, %mul3A_132 : i32
      %mul3A_134 = arith.constant 1280 : i32
      %mul3A_135 = arith.muli %add3A_133, %mul3A_134 : i32
      %dma_start3A = arith.constant 0 : i32
      %dma_start3A_136 = tpu.memref_slice %arg3[%dma_start3A, %mul3A_135] : memref<16x1600000xf32, #tpu.memory_space<hbm>> -> memref<16x1280xf32, #tpu.memory_space<hbm>>
      %dma_start3A_137 = arith.constant 0 : i32
      %dma_start3A_138 = tpu.memref_slice %arg3[%dma_start3A_137, %mul3A_135] : memref<16x1600000xf32, #tpu.memory_space<hbm>> -> memref<16x1280xf32, #tpu.memory_space<hbm>>
      tpu.enqueue_dma source(%arg5 : memref<16x1280xf32, #tpu.memory_space<vmem>>) target(%dma_start3A_138 : memref<16x1280xf32, #tpu.memory_space<hbm>>) target_semaphore(%arg6 : memref<!tpu.dma_semaphore, #tpu.memory_space<semaphore_mem>>)
      %while3A_139 = arith.constant 0 : i32
      scf.yield %while3A_139 : i32
    }
    %while3A_117 = arith.constant 0 : i32
    %while3A_118 = arith.constant 0 : i32
    %while3A_119 = arith.subi %add3A_105, %while3A_117 : i32
    %while3A_120 = arith.addi %while3A_117, %while3A_119 : i32
    %while3A_121 = arith.constant 1 : i32
    %while3A_122 = arith.divsi %while3A_119, %while3A_121 : i32
    %while3A_123 = arith.muli %while3A_122, %while3A_121 : i32
    %while3A_124 = arith.addi %while3A_117, %while3A_123 : i32
    %while3A_125 = arith.constant 1 : i32
    %while3A_126 = scf.for %while3A_129 = %while3A_117 to %while3A_124 step %while3A_125 iter_args(%while3A_130 = %while3A_118) -> (i32)  : i32 {
      %mul3A_131 = arith.constant 1280 : i32
      %mul3A_132 = arith.muli %add3A, %mul3A_131 : i32
      %dma_wait3A = arith.constant 0 : i32
      %dma_wait3A_133 = tpu.memref_slice %arg3[%dma_wait3A, %mul3A_132] : memref<16x1600000xf32, #tpu.memory_space<hbm>> -> memref<16x1280xf32, #tpu.memory_space<hbm>>
      %dma_wait3A_134 = arith.constant 0 : i32
      %dma_wait3A_135 = tpu.memref_slice %arg3[%dma_wait3A_134, %mul3A_132] : memref<16x1600000xf32, #tpu.memory_space<hbm>> -> memref<16x1280xf32, #tpu.memory_space<hbm>>
      tpu.wait_dma2 semaphore(%arg6 : memref<!tpu.dma_semaphore, #tpu.memory_space<semaphore_mem>>) src(%arg5 : memref<16x1280xf32, #tpu.memory_space<vmem>>) dst(%dma_wait3A_135 : memref<16x1280xf32, #tpu.memory_space<hbm>>)
      %while3A_136 = arith.constant 0 : i32
      scf.yield %while3A_136 : i32
    }
    %while3A_127 = arith.constant 1 : i32
    %while3A_128 = scf.for %while3A_129 = %while3A_124 to %while3A_120 step %while3A_127 iter_args(%while3A_130 = %while3A_126) -> (i32)  : i32 {
      %mul3A_131 = arith.constant 1280 : i32
      %mul3A_132 = arith.muli %add3A, %mul3A_131 : i32
      %dma_wait3A = arith.constant 0 : i32
      %dma_wait3A_133 = tpu.memref_slice %arg3[%dma_wait3A, %mul3A_132] : memref<16x1600000xf32, #tpu.memory_space<hbm>> -> memref<16x1280xf32, #tpu.memory_space<hbm>>
      %dma_wait3A_134 = arith.constant 0 : i32
      %dma_wait3A_135 = tpu.memref_slice %arg3[%dma_wait3A_134, %mul3A_132] : memref<16x1600000xf32, #tpu.memory_space<hbm>> -> memref<16x1280xf32, #tpu.memory_space<hbm>>
      tpu.wait_dma2 semaphore(%arg6 : memref<!tpu.dma_semaphore, #tpu.memory_space<semaphore_mem>>) src(%arg5 : memref<16x1280xf32, #tpu.memory_space<vmem>>) dst(%dma_wait3A_135 : memref<16x1280xf32, #tpu.memory_space<hbm>>)
      %while3A_136 = arith.constant 0 : i32
      scf.yield %while3A_136 : i32
    }
    return
  }
}

</mosaic_0001>

<sc_bundles>
// kernel: kernel.3.cloned.1.call-start
scs
__scs_entry_jumppad:
0x0: {  	(pc) =	sbr.rel $0x88, $3  }
0x1: {  	(tag) =	ssettag $0x0;
	lr =	simm.s32 $0x1  }
0x2: {  	[smem:$0x3FA0] =	sst lr;
	_ =	strace $0xD0000000  }
0x3: {  	_ = 	snop  }
0x4: {  	_ = 	snop  }
0x5: {  	_ = 	snop  }
0x6: {  	_ = 	snop  }
0x7: {  	_ = 	snop  }
__scs_overlays_trampoline_lowered:
0x8: {  	[smem:$0x3FAF] =	sst s0  }
0x9: {  	[smem:$0x3FB0] =	sst s1  }
0xa: {  	[smem:$0x3FB1] =	sst s2  }
0xb: {  	[smem:$0x3FB2] =	sst s3  }
0xc: {  	[smem:$0x3FB3] =	sst s4  }
0xd: {  	[smem:$0x3FB4] =	sst s5  }
0xe: {  	[smem:$0x3FB5] =	sst s6  }
0xf: {  	[smem:$0x3FB6] =	sst s7  }
0x10: {  	[smem:$0x3FB7] =	sst s8  }
0x11: {  	[smem:$0x3FB8] =	sst s9;
	s0 =	simm.s32 @!p0 $0x0  }
0x12: {  	s1 =	sld [smem:$0x3F9E];
	s0 =	simm.s32 @p0 $0x1  }
0x13: {  	[smem:$0x3FB9] =	sst s0;
	s0 =	simm.s32 @!p1 $0x0  }
0x14: {  	s2 =	sld [smem:$0x3F9D];
	s0 =	simm.s32 @p1 $0x1  }
0x15: {  	[smem:$0x3FBA] =	sst s0;
	s0 =	simm.s32 @!p2 $0x0  }
0x16: {  	s3 =	sld [smem:$0x3FDB];
	s0 =	simm.s32 @p2 $0x1  }
0x17: {  	s4 =	simm.s32 $0x1BF5;
	[smem:$0x3FBC] =	sst s0  }
0x18: {  	s0 =	sld [smem:$0x3F9F];
	_ =	swait.ge [sflag:s4], $0x0  }
0x19: {  	s7 =	sld [smem:$0x3FA0]  }
0x1a: {  	s8 =	sadd.s32 $0xFFFFE003, lr  }
0x1b: {  	s9 =	sadd.s32 $0xFFFFFEF7, lr;
	s5 =	simm.s32 $0xFFFFFFFF;
	p2 =	slt.u32 s8, $0xFFFFF086  }
0x1c: {  	p1 =	slt.u32 s9, $0xF7A;
	s5 =	simm.s32 @!p2 $0x0  }
0x1d: {  	s5 =	simm.s32 @p1 $0x1;
	p0 =	seq.s32 s7, s2  }
0x1e: {  	s7 =	smul.u32 @!p0 $0xF7A, s2;
	p2 =	seq.s32 @!p0 s5, $0x0  }
0x1f: {  	s9 =	smul.u32 $0xF7A, s1;
	s8 =	simm.s32 @!p0 $0x1BF5;
	p2 =	por !p2, p0  }
0x20: {  	[sflag:s8] =	ssyncset.s32 @!p0 $0xFFFFF086;
	s6 =	sadd.s32 @!p0 s3, s7;
	s7 =	simm.s32 @!p0 $0x108  }
0x21: {  	s3 =	sadd.s32 s3, s9;
	s6 =	sadd.s32 @!p0 $0x88, s6;
	s7 =	simm.s32 @p2 $0x1082  }
0x22: {  	[simem:s7], [sflag:s8] =	dma.local @!p0 [hbm:s6], $0xF7A  }
0x23: {  	s9 =	sor.u32 $0xD0000000, s2;
	s6 =	simm.s32 $0x108;
	_ =	swait.ge @!p0 [sflag:s8], $0x0  }
0x24: {  	s3 =	sadd.s32 $0x88, s3;
	s6 =	simm.s32 @!p1 $0x1082;
	[sflag:s4] =	ssyncset.s32 $0xFFFFF086  }
0x25: {  	[simem:s6], [sflag:s4] =	dma.local [hbm:s3], $0xF7A  }
0x26: {  	[smem:$0x3FA0] =	sst s1;
	(tag) =	ssettag s2;
	_ =	strace s9  }
0x27: {  	s1 =	sld [smem:$0x3FB0]  }
0x28: {  	s2 =	sld [smem:$0x3FB1]  }
0x29: {  	s4 =	sld [smem:$0x3FB3]  }
0x2a: {  	p0 =	seq.s32 s5, $0x0;
	s5 =	sld [smem:$0x3FB4]  }
0x2b: {  	s6 =	sld [smem:$0x3FB5]  }
0x2c: {  	s7 =	sld [smem:$0x3FB6]  }
0x2d: {  	s3 =	simm.s32 $0x108;
	s8 =	sld [smem:$0x3FB7]  }
0x2e: {  	s3 =	simm.s32 @!p0 $0x1082;
	s9 =	sld [smem:$0x3FB8]  }
0x2f: {  	lr =	sadd.s32 s0, s3;
	s0 =	sld [smem:$0x3FAF]  }
0x30: {  	s3 =	sld [smem:$0x3FB2]  }
0x31: {  	[smem:$0x3FBB] =	sst s10  }
0x32: {  	s10 =	sld [smem:$0x3FB9];
	_ =	sdelay $0x3  }
0x33: {  	p0 =	seq.s32 s10, $0x1;
	s10 =	sld [smem:$0x3FBB];
	_ =	sdelay $0x3  }
0x34: {  	[smem:$0x3FBB] =	sst s10  }
0x35: {  	s10 =	sld [smem:$0x3FBA];
	_ =	sdelay $0x3  }
0x36: {  	p1 =	seq.s32 s10, $0x1;
	s10 =	sld [smem:$0x3FBB];
	_ =	sdelay $0x3  }
0x37: {  	[smem:$0x3FBB] =	sst s10  }
0x38: {  	s10 =	sld [smem:$0x3FBC]  }
0x39: {  	_ = 	snop;
	(pc) =	sbr.ind lr, $3  }
0x3a: {  	_ = 	snop  }
0x3b: {  	_ = 	snop  }
0x3c: {  	p2 =	seq.s32 s10, $0x1;
	s10 =	sld [smem:$0x3FBB]  }
0x3d: {  	_ =	shalt  }
0x3e: {  	_ =	shalt  }
0x3f: {  	_ =	shalt  }
0x40: {  	_ =	shalt  }
0x41: {  	_ =	shalt  }
0x42: {  	_ =	shalt  }
0x43: {  	_ =	shalt  }
0x44: {  	_ =	shalt  }
0x45: {  	_ =	shalt  }
0x46: {  	_ =	shalt  }
0x47: {  	_ =	shalt  }
0x48: {  	_ =	shalt  }
0x49: {  	_ =	shalt  }
0x4a: {  	_ =	shalt  }
0x4b: {  	_ =	shalt  }
0x4c: {  	_ =	shalt  }
0x4d: {  	_ =	shalt  }
0x4e: {  	_ =	shalt  }
0x4f: {  	_ =	shalt  }
0x50: {  	_ =	shalt  }
0x51: {  	_ =	shalt  }
0x52: {  	_ =	shalt  }
0x53: {  	_ =	shalt  }
0x54: {  	_ =	shalt  }
0x55: {  	_ =	shalt  }
0x56: {  	_ =	shalt  }
0x57: {  	_ =	shalt  }
0x58: {  	_ =	shalt  }
0x59: {  	_ =	shalt  }
0x5a: {  	_ =	shalt  }
0x5b: {  	_ =	shalt  }
0x5c: {  	_ =	shalt  }
0x5d: {  	_ =	shalt  }
0x5e: {  	_ =	shalt  }
0x5f: {  	_ =	shalt  }
0x60: {  	_ =	shalt  }
0x61: {  	_ =	shalt  }
0x62: {  	_ =	shalt  }
0x63: {  	_ =	shalt  }
0x64: {  	_ =	shalt  }
0x65: {  	_ =	shalt  }
0x66: {  	_ =	shalt  }
0x67: {  	_ =	shalt  }
0x68: {  	_ =	shalt  }
0x69: {  	_ =	shalt  }
0x6a: {  	_ =	shalt  }
0x6b: {  	_ =	shalt  }
0x6c: {  	_ =	shalt  }
0x6d: {  	_ =	shalt  }
0x6e: {  	_ =	shalt  }
0x6f: {  	_ =	shalt  }
0x70: {  	_ =	shalt  }
0x71: {  	_ =	shalt  }
0x72: {  	_ =	shalt  }
0x73: {  	_ =	shalt  }
0x74: {  	_ =	shalt  }
0x75: {  	_ =	shalt  }
0x76: {  	_ =	shalt  }
0x77: {  	_ =	shalt  }
0x78: {  	_ =	shalt  }
0x79: {  	_ =	shalt  }
0x7a: {  	_ =	shalt  }
0x7b: {  	_ =	shalt  }
0x7c: {  	_ =	shalt  }
0x7d: {  	_ =	shalt  }
0x7e: {  	_ =	shalt  }
0x7f: {  	_ =	shalt  }
0x80: {  	_ =	shalt  }
0x81: {  	_ =	shalt  }
0x82: {  	_ =	shalt  }
0x83: {  	_ =	shalt  }
0x84: {  	_ =	shalt  }
0x85: {  	_ =	shalt  }
0x86: {  	_ =	shalt  }
0x87: {  	_ =	shalt  }
.Lfunc_end0:
.L_simem_size_0:
called_computation_lowered:
.L_overlay_start_0:
0x88: {  	s2 =	sld [smem:$0x3FD9]  }
0x89: {  	s3 =	sld [smem:$0x3FFE];
	_ =	sdelay $0x1  }
0x8a: {  	s1 =	srdreg.scid  }
0x8b: {  	s0 =	sand.u32 $0x1, s1  }
0x8c: {  	s17 =	sshll.u32 s0, $0xA;
	s2 =	sadd.s32 s3, s2  }
0x8d: {  	s2 =	sadd.s32 s2, s17  }
0x8e: {  	[smem:$0x3FC7] =	sst s2  }
0x8f: {  	_ = 	snop  }
0x90: {  	s2 =	sld [smem:$0x3FD0];
	(tm) =	ssettm $0x1  }
0x91: {  	s18 =	sld [smem:$0x3FFB];
	_ =	sdelay $0x3  }
0x92: {  	_ =	strace s18  }
0x93: {  	s3 =	sld [smem:$0x3FFC];
	_ =	sdelay $0x3  }
0x94: {  	_ =	strace s3  }
0x95: {  	s3 =	sld [smem:$0x3FFD];
	_ =	sdelay $0x3  }
0x96: {  	_ =	strace s3  }
0x97: {  	_ =	strace $0x8FFFFFFF  }
0x98: {  	s19 =	sld [smem:$0x3FDB];
	_ =	sdelay $0x1  }
0x99: {  	s4 =	simm.s32 $_scs_section_size  }
0x9a: {  	s5 =	simm.s32 $_size__tile_overlayer_lowered;
	s6 =	simm.s32 $_tile_overlayer_lowered  }
0x9b: {  	s22 =	simm.s32 $0x1BFF;
	s21 =	sshll.u32 s6, $0x1;
	s3 =	sadd.s32 s4, s19  }
0x9c: {  	s7 =	simm.s32 $0x0;
	s20 =	sshll.u32 s5, $0x1;
	s5 =	sadd.s32 s21, s3  }
0x9d: {  	[timem:s7], [sflag:s22] =	dma.local [hbm:s5], s20  }
0x9e: {  	_ =	swait.ge [sflag:s22], s20  }
0x9f: {  	s4 =	ssub.s32 $0x0, s20;
	[sflag:s22] =	ssyncset.done $0x0  }
0xa0: {  	[sflag:s22] =	ssyncadd.s32 s4;
	_ =	sdelay $0x1  }
0xa1: {  	s23 =	simm.s32 $0x1B8B  }
0xa2: {  	_ =	swait.ge [sflag:s23], $0x1  }
0xa3: {  	[sflag:s23] =	ssyncset.done $0x0  }
0xa4: {  	s25 =	simm.s32 $0x1B8E;
	s24 =	sld [smem:$0x3FFE];
	[sflag:s23] =	ssyncadd.s32 $0xFFFFFFFF  }
0xa5: {  	s26 =	simm.s32 $execute0_lowered;
	[smem:$0x3FD2] =	sst s25  }
0xa6: {  	s5 =	sshll.u32 s26, $0x1;
	_ =	strace $0x80000046;
	[dreg:$0x1] =	wrdreg $0xFFFFFFFF  }
0xa7: {  	s28 =	simm.s32 $_size_execute0_lowered;
	s3 =	sadd.s32 s3, s5;
	[dreg:$0x0] =	wrdreg $0x0  }
0xa8: {  	s5 =	sshll.u32 s28, $0x1;
	[dreg:$0x2] =	wrdreg s3  }
0xa9: {  	[dreg:$0x3] =	wrdreg s5  }
0xaa: {  	[dreg:$0x4] =	wrdreg $0xC0  }
0xab: {  	_ =	task [dreg:s7], $0x5FFFF  }
0xac: {  	[dreg:$0x1] =	wrdreg $0xFFFFFFFF  }
0xad: {  	[dreg:$0x0] =	wrdreg $0x60  }
0xae: {  	[dreg:$0x2] =	wrdreg s24  }
0xaf: {  	[dreg:$0x3] =	wrdreg s2  }
0xb0: {  	[dreg:$0x4] =	wrdreg $0x9  }
0xb1: {  	_ =	task.clear_ibuf [dreg:s7], $0x5FFFF;
	_ =	strace $0x90000046  }
0xb2: {  	s29 =	simm.s32 $0x9;
	_ =	strace $0x80000048  }
0xb3: {  	_ =	swait.ge [sflag:s29], $0x1  }
0xb4: {  	[sflag:s29] =	ssyncadd.s32 $0xFFFFFFFF  }
0xb5: {  	_ =	strace $0x90000048  }
0xb6: {  	_ =	sfence  }
0xb7: {  	s30 =	sld [smem:$0x0];
	_ =	sdelay $0x2  }
0xb8: {  	s31 =	sshll.u32 s1, $0xD;
	s1 =	sshrl.u32 s1, $0x2  }
0xb9: {  	s3 =	sand.u32 $0x4000, s31;
	s1 =	sadd.s32 s1, s30  }
0xba: {  	s0 =	sor.u32 s3, s0;
	s1 =	sshll.u32 s1, $0x11  }
0xbb: {  	s0 =	sor.u32 s1, s0  }
0xbc: {  	s0 =	sadd.s32 $0x8F2B, s0  }
0xbd: {  	[sflag:s0] =	ssyncadd.remote.s32 $0x1  }
0xbe: {  	_ =	sfence.sel $0xFFFF  }
0xbf: {  	[dreg:$0x0] =	wrdreg $0xFFFFFFFF;
	(pc) =	sbr.abs _section_cstart, $3  }
0xc0: {  	[dreg:$0x1] =	wrdreg $0xFFFFFFFF  }
0xc1: {  	_ =	task.clear_ibuf [dreg:s7], $0x2FFFF;
	_ =	strace $0x9FFFFFFF  }
0xc2: {  	(tm) =	ssettm $0x7FFFFFFF  }
0xc3: {  	_ =	shalt  }
tec
execute0_lowered:
.L_overlay_start_1:
0x0: {  	(tag) =	ssettag $0x1  }
0x1: {  	s4 =	rddreg [dreg:$0x0]  }
0x2: {  	s1 =	rddreg [dreg:$0x1]  }
0x3: {  	s0 =	rddreg [dreg:$0x2];
	s3 =	simm.s32 $0x0  }
0x4: {  	s5 =	srdreg.scid;
	s2 =	stileid.u32;
	s11 =	simm.s32 $0x800  }
0x5: {  	s12 =	simm.s32 $0x1;
	s13 =	simm.s32 $0x0;
	[smem:$0x7FF] =	sst s3  }
0x6: {  	s5 =	sand.u32 $0x1, s5;
	s6 =	sshll.u32 s2, $0x1;
	s8 =	smul.u32 $0x5000, s2  }
0x7: {  	s4 =	sadd.s32 $0x400, s4;
	s7 =	ssub.s32 $0x2, s5;
	s6 =	sor.u32 s6, s5  }
0x8: {  	s10 =	smul.u32 $0x2800, s5;
	s9 =	sshrl.u32 s7, $0x1;
	s6 =	ssub.s32 $0x4E1, s6  }
0x9: {  	_ =	strace $0x80000047;
	s31 =	ssub.s32 s7, s9;
	s6 =	sshrl.u32 s6, $0x5  }
0xa: {  	s7 =	sadd.s32 s10, s8;
	s8 =	simm.s32 $0x2;
	s9 =	simm.s32 $0x2800  }
0xb: {  	s10 =	simm.s32 $0xC35000;
	s5 =	smax.u32 s31, $0x1;
	s6 =	sxor.u32 $0xFFFFFFFF, s6  }
.LBB2_1:
0xc: {  	[tilespmem:s3], [sflag:$0x2] =	stream.linear.gather [hbm4b:s4+s3], $0x800, $0x38;
	[tilespmem:$0x5800] =	vst v63  }
0xd: {  	_ =	swait.ge [sflag:s8], $0x800  }
0xe: {  	[sflag:s8] =	ssyncset.done $0x0  }
0xf: {  	[sflag:s8] =	ssyncadd.s32 $0xFFFFF800  }
0x10: {  	v0 =	vld [tilespmem:$0x0]  }
0x11: {  	v10 =	vld [tilespmem:$0x80]  }
0x12: {  	v12 =	vld [tilespmem:$0x100]  }
0x13: {  	v14 =	vld [tilespmem:$0x180]  }
0x14: {  	v15 =	vld [tilespmem:$0x200]  }
0x15: {  	v13 =	vld [tilespmem:$0x280]  }
0x16: {  	v11 =	vld [tilespmem:$0x300]  }
0x17: {  	v3 =	vld [tilespmem:$0x380]  }
0x18: {  	v4 =	vld [tilespmem:$0x400]  }
0x19: {  	v5 =	vld [tilespmem:$0x480]  }
0x1a: {  	v6 =	vld [tilespmem:$0x500]  }
0x1b: {  	v7 =	vld [tilespmem:$0x580]  }
0x1c: {  	v8 =	vld [tilespmem:$0x600]  }
0x1d: {  	s14 =	sand.u32 $0x70, s3;
	s15 =	sand.u32 $0x3C00, s3;
	v9 =	vld [tilespmem:$0x680]  }
0x1e: {  	s14 =	sor.u32 s14, s15;
	v1 =	vld [tilespmem:$0x700]  }
0x1f: {  	v2 =	vld [tilespmem:$0x780];
	[tilespmem:s14+$0x880] =	vst v10  }
0x20: {  	[tilespmem:s14+$0x900] =	vst v12  }
0x21: {  	s18 =	sand.u32 $0x7, s3;
	[tilespmem:s14+$0x980] =	vst v14  }
0x22: {  	s16 =	simm.s32 $0x10;
	s17 =	simm.s32 $0x0;
	s15 =	simm.s32 $0x0;
	[tilespmem:s14+$0xA00] =	vst v15  }
.LBB2_2:
0x23: {  	p0 =	sne.s32 s16, $0x4F0;
	s18 =	sshll.u32 s18, $0x4;
	[tilespmem:s14+$0xA80] =	vst v13  }
0x24: {  	s18 =	sadd.s32 s18, s15;
	[tilespmem:s14+$0xB00] =	vst v11  }
0x25: {  	[tilespmem:s14+$0x800] =	vst v0;
	s18 =	sor.u32 $0x380, s18  }
0x26: {  	[tilespmem:s18+$0x800] =	vst v3  }
0x27: {  	[tilespmem:s14+$0x3000] =	vst v4  }
0x28: {  	[tilespmem:s14+$0x3080] =	vst v5  }
0x29: {  	[tilespmem:s14+$0x3100] =	vst v6  }
0x2a: {  	[tilespmem:s14+$0x3180] =	vst v7  }
0x2b: {  	[tilespmem:s14+$0x3200] =	vst v8  }
0x2c: {  	s15 =	sadd.s32 $0x80, s15;
	[tilespmem:s14+$0x3280] =	vst v9  }
0x2d: {  	s19 =	sand.u32 $0x3C00, s15;
	s18 =	sand.u32 $0x70, s16;
	[tilespmem:s14+$0x3300] =	vst v1  }
.Ltmp0:
0x2e: {  	[tilespmem:s14+$0x3380] =	vst v2;
	s14 =	sor.u32 s18, s19;
	(pc) =	sbr.rel @p0 .LBB2_2-.Ltmp0, $4  }
0x2f: {  	[tilespmem:s14+$0x880] =	vst v10  }
0x30: {  	[tilespmem:s14+$0x900] =	vst v12  }
0x31: {  	s17 =	sadd.s32 $0x1, s17;
	[tilespmem:s14+$0x980] =	vst v14  }
0x32: {  	s16 =	sadd.s32 $0x10, s16;
	s18 =	sand.u32 $0x7, s17;
	[tilespmem:s14+$0xA00] =	vst v15  }
0x33: {  	s16 =	sshll.u32 s18, $0x4;
	[tilespmem:s14+$0xA80] =	vst v13  }
0x34: {  	[tilespmem:s14+$0xB00] =	vst v11;
	s15 =	sadd.s32 s16, s15  }
0x35: {  	[tilespmem:s14+$0x800] =	vst v0;
	s15 =	sor.u32 $0x380, s15  }
0x36: {  	[tilespmem:s15+$0x800] =	vst v3  }
0x37: {  	[tilespmem:s14+$0x3000] =	vst v4  }
0x38: {  	s15 =	sadd.s32 $0x1, s6;
	[tilespmem:s14+$0x3080] =	vst v5  }
0x39: {  	[tilespmem:s14+$0x3100] =	vst v6;
	p0 =	seq.s32 s15, $0x0  }
.Ltmp1:
0x3a: {  	[tilespmem:s14+$0x3180] =	vst v7;
	(pc) =	sbr.rel @p0 .LBB2_5-.Ltmp1, $4  }
0x3b: {  	[tilespmem:s14+$0x3200] =	vst v8  }
0x3c: {  	[tilespmem:s14+$0x3280] =	vst v9  }
0x3d: {  	s31 =	sshrl.u32 s7, $0x3;
	[tilespmem:s14+$0x3300] =	vst v1  }
0x3e: {  	s16 =	sadd.s32 s1, s31;
	[tilespmem:s14+$0x3380] =	vst v2;
	s14 =	sadd.s32 $0x50000, s7  }
.LBB2_4:
0x3f: {  	[hbm4b:s16+s9] =	stream.strided.scatter [tilespmem:s11], [sflag:$0x1], $0x5000, s10, s9, $0x38;
	[tilespmem:$0x5800] =	vst v63  }
0x40: {  	s15 =	sadd.s32 $0x1, s15  }
0x41: {  	p0 =	seq.s32 s15, $0x0  }
.Ltmp2:
0x42: {  	(pc) =	sbr.rel @!p0 .LBB2_4-.Ltmp2, $3  }
0x43: {  	_ =	sdelay $0x1  }
0x44: {  	s16 =	sshrl.u32 s14, $0x3  }
0x45: {  	s14 =	sadd.s32 $0x50000, s14;
	s16 =	sadd.s32 s1, s16  }
.LBB2_5:
0x46: {  	s14 =	sadd.s32 $0x1, s6  }
0x47: {  	p0 =	seq.s32 s14, $0x0  }
.Ltmp3:
0x48: {  	_ = 	snop;
	(pc) =	sbr.rel @p0 .LBB2_7-.Ltmp3, $4  }
0x49: {  	_ = 	snop  }
0x4a: {  	[hbm4b:s16+s9] =	stream.strided.scatter [tilespmem:s11], [sflag:$0x1], $0x5000, s10, s9, $0x38;
	[tilespmem:$0x5800] =	vst v63  }
0x4b: {  	_ =	swait.ge [sflag:s12], $0x5000  }
0x4c: {  	[sflag:s12] =	ssyncset.done $0x0  }
.LBB2_6:
0x4d: {  	s14 =	sadd.s32 $0x1, s14  }
0x4e: {  	[sflag:s12] =	ssyncadd.s32 $0xFFFFB000;
	p0 =	seq.s32 s14, $0x0  }
.Ltmp4:
0x4f: {  	(pc) =	sbr.rel @!p0 .LBB2_6-.Ltmp4, $3  }
0x50: {  	_ =	sdelay $0x1  }
0x51: {  	_ =	swait.ge [sflag:s12], $0x5000  }
0x52: {  	[sflag:s12] =	ssyncset.done $0x0  }
.LBB2_7:
0x53: {  	s13 =	sadd.s32 $0x1, s13  }
0x54: {  	p0 =	sne.s32 s13, s5  }
.Ltmp5:
0x55: {  	_ = 	snop;
	(pc) =	sbr.rel @p0 .LBB2_1-.Ltmp5, $2  }
0x56: {  	_ =	sdelay $0x2  }
0x57: {  	[sflag:s12] =	ssyncadd.s32 $0xFFFFB000  }
0x58: {  	_ =	sfence.sel $0x180000  }
0x59: {  	[bflag:$0x0] =	sbarrier.arrive $0xFFFF  }
0x5a: {  	p0 =	sne.s32 s2, $0x0;
	_ =	strace $0x90000047  }
0x5b: {  	s0 =	sadd.s32 @!p0 $0x100000, s0;
	[bflag:$0x2] =	sbarrier.arrive $0xFFFF  }
0x5c: {  	[sflag:s0] =	ssyncadd.tile.s32 @!p0 $0x1;
	_ =	shalt  }
.Lfunc_end2:
_tile_overlayer_lowered:
.L_overlay_start_2:
0x5d: {  	(tag) =	ssettag $0x2  }
0x5e: {  	s0 =	rddreg [dreg:$0x0];
	s2 =	stileid.u32  }
0x5f: {  	s1 =	rddreg [dreg:$0x1];
	p0 =	sne.s32 s2, $0x0  }
0x60: {  	s3 =	rddreg [dreg:$0x2];
	[bflag:$0x3] =	sbarrier.arrive $0xFFFF;
	s2 =	simm.s32 @!p0 $0x1C02  }
0x61: {  	[timem:s3], [sflag:s2] =	dma.local @!p0 [hbm:s0], s1  }
0x62: {  	s0 =	simm.s32 @!p0 $0x2  }
0x63: {  	_ =	swait.ge @!p0 [sflag:s0], s1  }
0x64: {  	s1 =	ssub.s32 @!p0 $0x0, s1;
	[sflag:s0] =	ssyncset.done @!p0 $0x0  }
0x65: {  	[sflag:s0] =	ssyncadd.s32 @!p0 s1  }
0x66: {  	[bflag:$0x3] =	sbarrier.arrive $0xFFFF  }
0x67: {  	_ =	shalt  }

</sc_bundles>
